<compile_context>
chip_gen: v7x
topology: tpu7x:2x2x1
jax: 0.10.2.dev20260603
libtpu: 0.0.44.dev20260713+nightly
codegen_flags: <defaults>
</compile_context>

<pallas_src>
import functools

import jax
import jax.numpy as jnp
from jax import lax
from jax.experimental import pallas as pl
from jax.experimental.pallas import tpu as pltpu
from jax.experimental.pallas import tpu_sc as plsc

_NC = 2
_L = 16
_E = 64
_ZL = 0.001
_ROWS = 32768
_COLS = 2048
_BLK = 1024
_N = float(_ROWS * _COLS)


def _body(x_ref, p_ref, tk8_ref, probs_ref, loss_ref, topk_ref, acc_ref):
    step = pl.program_id(0)

    @pl.when(step == 0)
    def _init():
        acc_ref[...] = jnp.zeros_like(acc_ref)

    acc_ref[...] += jnp.sum(x_ref[...], axis=0, keepdims=True)

    @pl.when(step == pl.num_programs(0) - 1)
    def _finish():
        total = jnp.sum(acc_ref[...], keepdims=True)
        x = total / _N
        p = p_ref[...]
        sim = -((p - x) ** 2)
        m = jnp.max(sim, keepdims=True)
        e = jnp.exp(sim - m)
        denom = jnp.sum(e, keepdims=True)
        probs = e / denom

        idx = lax.broadcasted_iota(jnp.int32, (1, _E), 1)
        m1 = jnp.max(probs, keepdims=True)
        i1 = jnp.min(jnp.where(probs == m1, idx, _E), keepdims=True)
        rest = jnp.where(idx == i1, -jnp.inf, probs)
        m2 = jnp.max(rest, keepdims=True)
        i2 = jnp.min(jnp.where(rest == m2, idx, _E), keepdims=True)

        rows8 = lax.broadcasted_iota(jnp.int32, (8, 128), 0)
        tk8_ref[...] = jnp.where(rows8 == 0, i1, i2).astype(jnp.float32)
        probs_ref[...] = probs
        pm = jnp.sum(probs, keepdims=True) / _E
        loss_ref[...] = (pm - 1.0 / _E) ** 2 * _ZL
        k_iota = lax.broadcasted_iota(jnp.int32, (1, 2), 1)
        topk_ref[...] = jnp.where(k_iota == 0, i1, i2)


def _scatter_mask_body(tk8_hbm, mask_hbm, buft, outm, sem):
    wid = lax.axis_index("s") * _NC + lax.axis_index("c")

    @pl.when(wid == 0)
    def _run():
        pltpu.async_copy(tk8_hbm.at[pl.ds(0, 8), :], buft, sem).wait()
        i1 = buft[0, pl.ds(0, _L)]
        i2 = buft[1, pl.ds(0, _L)]
        one = jnp.ones((_L,), jnp.float32)
        zero = jnp.zeros((_L,), jnp.float32)
        for k in range(4):
            idx = (lax.iota(jnp.int32, _L) + _L * k).astype(jnp.float32)
            d1 = idx - i1
            d2 = idx - i2
            outm[pl.ds(_L * k, _L)] = (jnp.maximum(one - d1 * d1, zero)
                                       + jnp.maximum(one - d2 * d2, zero))
        pltpu.sync_copy(outm, mask_hbm)


_scatter_mask = functools.partial(
    pl.kernel,
    mesh=plsc.VectorSubcoreMesh(core_axis_name="c", subcore_axis_name="s"),
    out_type=jax.ShapeDtypeStruct((_E,), jnp.float32),
    scratch_types=[
        pltpu.VMEM((8, 128), jnp.float32),
        pltpu.VMEM((_E,), jnp.float32),
        pltpu.SemaphoreType.DMA,
    ],
)(_scatter_mask_body)


def kernel(wm_state, prototypes):
    wm = wm_state.reshape(_ROWS, _COLS)
    pt = prototypes.reshape(1, _E)
    grid = _ROWS // _BLK
    tk8, probs, loss, topk = pl.pallas_call(
        _body,
        grid=(grid,),
        in_specs=[
            pl.BlockSpec((_BLK, _COLS), lambda i: (i, 0)),
            pl.BlockSpec((1, _E), lambda i: (0, 0)),
        ],
        out_specs=[
            pl.BlockSpec((8, 128), lambda i: (0, 0)),
            pl.BlockSpec((1, _E), lambda i: (0, 0)),
            pl.BlockSpec((1, 1), lambda i: (0, 0)),
            pl.BlockSpec((1, 2), lambda i: (0, 0)),
        ],
        out_shape=[
            jax.ShapeDtypeStruct((8, 128), jnp.float32),
            jax.ShapeDtypeStruct((1, _E), jnp.float32),
            jax.ShapeDtypeStruct((1, 1), jnp.float32),
            jax.ShapeDtypeStruct((1, 2), jnp.int32),
        ],
        scratch_shapes=[pltpu.VMEM((1, _COLS), jnp.float32)],
    )(wm, pt)
    mask = _scatter_mask(tk8)
    return (mask, probs.reshape(_E),
            loss.reshape(()), topk.reshape(2))

# --- scband reference (transcript-rebuilt; emitter-appended) ---
"""Pipeline reference for scband-gwrouter-49349174231266 (READ-ONLY COPY).

The authoritative reference and input builder live on the scoring server;
editing this copy changes nothing except your own understanding.
"""

import jax, jax.numpy as jnp
import numpy as np

NUM_EXPERTS = 64
K = 2
Z_LOSS = 0.001


def setup_inputs(seed: int = 0) -> dict:
    key = jax.random.key(seed)
    k1, k2 = jax.random.split(key)
    wm_state = jax.random.normal(k1, (4, 8192, 2048), dtype=jnp.float32)
    prototypes = jax.random.normal(k2, (NUM_EXPERTS, 1), dtype=jnp.float32)
    return {"wm_state": wm_state, "prototypes": prototypes}


def reference(wm_state, prototypes):
    # x = wm_state.mean().unsqueeze(0)
    x = jnp.mean(wm_state)[None]  # shape (1,)
    # sim = -(prototypes - x)^2, squeeze last dim -> (E,)
    sim = -jnp.squeeze((prototypes - x) ** 2, axis=-1)
    probs = jax.nn.softmax(sim, axis=-1)
    topk_vals, topk_idx = jax.lax.top_k(probs, K)
    mask = jnp.zeros_like(probs).at[topk_idx].set(1.0)
    balance_loss = (jnp.mean(probs) - 1.0 / NUM_EXPERTS) ** 2 * Z_LOSS
    # return mask plus stats (probs, balance_loss, topk)
    return (mask, probs, balance_loss, topk_idx)

if __name__ == "__main__":
    import jax
    _d = setup_inputs()
    print(jax.jit(kernel)(*tuple(_d.values())))

</pallas_src>

<mosaic_0001>
#map = affine_map<(d0, d1) -> (0, 0)>
#map1 = affine_map<(d0, d1) -> (0)>
module attributes {stable_mosaic.version = 14 : i64} {
  func.func @_scatter_mask_body(%arg0: i32, %arg1: i32, %arg2: memref<8x128xf32, #tpu.memory_space<hbm>>, %arg3: memref<64xf32, #tpu.memory_space<hbm>>, %arg4: memref<8x128xf32, #tpu.memory_space<vmem>>, %arg5: memref<64xf32, #tpu.memory_space<vmem>>, %arg6: memref<!tpu.dma_semaphore, #tpu.memory_space<semaphore_mem>>) attributes {dimension_semantics = [#tpu.dimension_semantics<core_parallel>, #tpu.dimension_semantics<subcore_parallel>], iteration_bounds = array<i64: 2, 16>, scalar_prefetch = 0 : i64, scratch_operands = 3 : i64, tpu.core_type = #tpu.core_type<sc_vector_subcore>, window_params = [{transform_indices = #map}, {transform_indices = #map1}]} {
    %mul3A = arith.constant 2 : i32
    %mul3A_0 = arith.muli %arg1, %mul3A : i32
    %add3A = arith.addi %mul3A_0, %arg0 : i32
    %eq3A = arith.constant 0 : i32
    %eq3A_1 = arith.cmpi eq, %add3A, %eq3A : i32
    %convert_element_type3A = arith.extui %eq3A_1 : i1 to i32
    %cond3A = arith.constant 0 : i32
    %cond3A_2 = arith.cmpi ne, %convert_element_type3A, %cond3A : i32
    scf.if %cond3A_2 {
      %dma_start3A = arith.constant 0 : i32
      %dma_start3A_3 = arith.constant 0 : i32
      %dma_start3A_4 = tpu.memref_slice %arg2[%dma_start3A, %dma_start3A_3] : memref<8x128xf32, #tpu.memory_space<hbm>> -> memref<8x128xf32, #tpu.memory_space<hbm>>
      %dma_start3A_5 = arith.constant 0 : i32
      %dma_start3A_6 = arith.constant 0 : i32
      %dma_start3A_7 = tpu.memref_slice %arg2[%dma_start3A_5, %dma_start3A_6] : memref<8x128xf32, #tpu.memory_space<hbm>> -> memref<8x128xf32, #tpu.memory_space<hbm>>
      tpu.enqueue_dma source(%dma_start3A_7 : memref<8x128xf32, #tpu.memory_space<hbm>>) target(%arg4 : memref<8x128xf32, #tpu.memory_space<vmem>>) target_semaphore(%arg6 : memref<!tpu.dma_semaphore, #tpu.memory_space<semaphore_mem>>)
      %dma_wait3A = arith.constant 0 : i32
      %dma_wait3A_8 = arith.constant 0 : i32
      %dma_wait3A_9 = tpu.memref_slice %arg2[%dma_wait3A, %dma_wait3A_8] : memref<8x128xf32, #tpu.memory_space<hbm>> -> memref<8x128xf32, #tpu.memory_space<hbm>>
      %dma_wait3A_10 = arith.constant 0 : i32
      %dma_wait3A_11 = arith.constant 0 : i32
      %dma_wait3A_12 = tpu.memref_slice %arg2[%dma_wait3A_10, %dma_wait3A_11] : memref<8x128xf32, #tpu.memory_space<hbm>> -> memref<8x128xf32, #tpu.memory_space<hbm>>
      tpu.wait_dma2 semaphore(%arg6 : memref<!tpu.dma_semaphore, #tpu.memory_space<semaphore_mem>>) src(%dma_wait3A_12 : memref<8x128xf32, #tpu.memory_space<hbm>>) dst(%arg4 : memref<8x128xf32, #tpu.memory_space<vmem>>)
      %get3A = arith.constant 0 : i32
      %get3A_13 = arith.index_cast %get3A : i32 to index
      %get3A_14 = arith.constant 0 : index
      %get3A_15 = tpu.vector_load %arg4[%get3A_13, %get3A_14] {strides = array<i32>} : memref<8x128xf32, #tpu.memory_space<vmem>>, vector<1x16xf32>,
      %get3A_16 = vector.shape_cast %get3A_15 : vector<1x16xf32> to vector<16xf32>
      %get3A_17 = arith.constant 1 : i32
      %get3A_18 = arith.index_cast %get3A_17 : i32 to index
      %get3A_19 = arith.constant 0 : index
      %get3A_20 = tpu.vector_load %arg4[%get3A_18, %get3A_19] {strides = array<i32>} : memref<8x128xf32, #tpu.memory_space<vmem>>, vector<1x16xf32>,
      %get3A_21 = vector.shape_cast %get3A_20 : vector<1x16xf32> to vector<16xf32>
      %broadcast_in_dim3A = arith.constant 1.000000e+00 : f32
      %broadcast_in_dim3A_22 = vector.broadcast %broadcast_in_dim3A : f32 to vector<16xf32>
      %broadcast_in_dim3A_23 = arith.constant 0.000000e+00 : f32
      %broadcast_in_dim3A_24 = vector.broadcast %broadcast_in_dim3A_23 : f32 to vector<16xf32>
      %iota3A = tpu.iota {dimensions = array<i32: 0>} : vector<16xi32>
      %add3A_25 = arith.constant 0 : i32
      %add3A_26 = vector.broadcast %add3A_25 : i32 to vector<16xi32>
      %add3A_27 = arith.addi %iota3A, %add3A_26 : vector<16xi32>
      %convert_element_type3A_28 = arith.sitofp %add3A_27 : vector<16xi32> to vector<16xf32>
      %sub3A = arith.subf %convert_element_type3A_28, %get3A_16 : vector<16xf32>
      %sub3A_29 = arith.subf %convert_element_type3A_28, %get3A_21 : vector<16xf32>
      %mul3A_30 = arith.mulf %sub3A, %sub3A : vector<16xf32>
      %sub3A_31 = arith.subf %broadcast_in_dim3A_22, %mul3A_30 : vector<16xf32>
      %max3A = arith.maximumf %sub3A_31, %broadcast_in_dim3A_24 : vector<16xf32>
      %mul3A_32 = arith.mulf %sub3A_29, %sub3A_29 : vector<16xf32>
      %sub3A_33 = arith.subf %broadcast_in_dim3A_22, %mul3A_32 : vector<16xf32>
      %max3A_34 = arith.maximumf %sub3A_33, %broadcast_in_dim3A_24 : vector<16xf32>
      %add3A_35 = arith.addf %max3A, %max3A_34 : vector<16xf32>
      %swap3A = arith.constant 0 : index
      %swap3A_36 = tpu.vector_load %arg5[%swap3A] {strides = array<i32>} : memref<64xf32, #tpu.memory_space<vmem>>, vector<16xf32>,
      %swap3A_37 = vector.shape_cast %swap3A_36 : vector<16xf32> to vector<16xf32>
      %swap3A_38 = vector.shape_cast %add3A_35 : vector<16xf32> to vector<16xf32>
      tpu.vector_store %arg5[%swap3A], %swap3A_38 {strides = array<i32>} : memref<64xf32, #tpu.memory_space<vmem>>, vector<16xf32>,
      %iota3A_39 = tpu.iota {dimensions = array<i32: 0>} : vector<16xi32>
      %add3A_40 = arith.constant 16 : i32
      %add3A_41 = vector.broadcast %add3A_40 : i32 to vector<16xi32>
      %add3A_42 = arith.addi %iota3A_39, %add3A_41 : vector<16xi32>
      %convert_element_type3A_43 = arith.sitofp %add3A_42 : vector<16xi32> to vector<16xf32>
      %sub3A_44 = arith.subf %convert_element_type3A_43, %get3A_16 : vector<16xf32>
      %sub3A_45 = arith.subf %convert_element_type3A_43, %get3A_21 : vector<16xf32>
      %mul3A_46 = arith.mulf %sub3A_44, %sub3A_44 : vector<16xf32>
      %sub3A_47 = arith.subf %broadcast_in_dim3A_22, %mul3A_46 : vector<16xf32>
      %max3A_48 = arith.maximumf %sub3A_47, %broadcast_in_dim3A_24 : vector<16xf32>
      %mul3A_49 = arith.mulf %sub3A_45, %sub3A_45 : vector<16xf32>
      %sub3A_50 = arith.subf %broadcast_in_dim3A_22, %mul3A_49 : vector<16xf32>
      %max3A_51 = arith.maximumf %sub3A_50, %broadcast_in_dim3A_24 : vector<16xf32>
      %add3A_52 = arith.addf %max3A_48, %max3A_51 : vector<16xf32>
      %swap3A_53 = arith.constant 16 : index
      %swap3A_54 = tpu.vector_load %arg5[%swap3A_53] {strides = array<i32>} : memref<64xf32, #tpu.memory_space<vmem>>, vector<16xf32>,
      %swap3A_55 = vector.shape_cast %swap3A_54 : vector<16xf32> to vector<16xf32>
      %swap3A_56 = vector.shape_cast %add3A_52 : vector<16xf32> to vector<16xf32>
      tpu.vector_store %arg5[%swap3A_53], %swap3A_56 {strides = array<i32>} : memref<64xf32, #tpu.memory_space<vmem>>, vector<16xf32>,
      %iota3A_57 = tpu.iota {dimensions = array<i32: 0>} : vector<16xi32>
      %add3A_58 = arith.constant 32 : i32
      %add3A_59 = vector.broadcast %add3A_58 : i32 to vector<16xi32>
      %add3A_60 = arith.addi %iota3A_57, %add3A_59 : vector<16xi32>
      %convert_element_type3A_61 = arith.sitofp %add3A_60 : vector<16xi32> to vector<16xf32>
      %sub3A_62 = arith.subf %convert_element_type3A_61, %get3A_16 : vector<16xf32>
      %sub3A_63 = arith.subf %convert_element_type3A_61, %get3A_21 : vector<16xf32>
      %mul3A_64 = arith.mulf %sub3A_62, %sub3A_62 : vector<16xf32>
      %sub3A_65 = arith.subf %broadcast_in_dim3A_22, %mul3A_64 : vector<16xf32>
      %max3A_66 = arith.maximumf %sub3A_65, %broadcast_in_dim3A_24 : vector<16xf32>
      %mul3A_67 = arith.mulf %sub3A_63, %sub3A_63 : vector<16xf32>
      %sub3A_68 = arith.subf %broadcast_in_dim3A_22, %mul3A_67 : vector<16xf32>
      %max3A_69 = arith.maximumf %sub3A_68, %broadcast_in_dim3A_24 : vector<16xf32>
      %add3A_70 = arith.addf %max3A_66, %max3A_69 : vector<16xf32>
      %swap3A_71 = arith.constant 32 : index
      %swap3A_72 = tpu.vector_load %arg5[%swap3A_71] {strides = array<i32>} : memref<64xf32, #tpu.memory_space<vmem>>, vector<16xf32>,
      %swap3A_73 = vector.shape_cast %swap3A_72 : vector<16xf32> to vector<16xf32>
      %swap3A_74 = vector.shape_cast %add3A_70 : vector<16xf32> to vector<16xf32>
      tpu.vector_store %arg5[%swap3A_71], %swap3A_74 {strides = array<i32>} : memref<64xf32, #tpu.memory_space<vmem>>, vector<16xf32>,
      %iota3A_75 = tpu.iota {dimensions = array<i32: 0>} : vector<16xi32>
      %add3A_76 = arith.constant 48 : i32
      %add3A_77 = vector.broadcast %add3A_76 : i32 to vector<16xi32>
      %add3A_78 = arith.addi %iota3A_75, %add3A_77 : vector<16xi32>
      %convert_element_type3A_79 = arith.sitofp %add3A_78 : vector<16xi32> to vector<16xf32>
      %sub3A_80 = arith.subf %convert_element_type3A_79, %get3A_16 : vector<16xf32>
      %sub3A_81 = arith.subf %convert_element_type3A_79, %get3A_21 : vector<16xf32>
      %mul3A_82 = arith.mulf %sub3A_80, %sub3A_80 : vector<16xf32>
      %sub3A_83 = arith.subf %broadcast_in_dim3A_22, %mul3A_82 : vector<16xf32>
      %max3A_84 = arith.maximumf %sub3A_83, %broadcast_in_dim3A_24 : vector<16xf32>
      %mul3A_85 = arith.mulf %sub3A_81, %sub3A_81 : vector<16xf32>
      %sub3A_86 = arith.subf %broadcast_in_dim3A_22, %mul3A_85 : vector<16xf32>
      %max3A_87 = arith.maximumf %sub3A_86, %broadcast_in_dim3A_24 : vector<16xf32>
      %add3A_88 = arith.addf %max3A_84, %max3A_87 : vector<16xf32>
      %swap3A_89 = arith.constant 48 : index
      %swap3A_90 = tpu.vector_load %arg5[%swap3A_89] {strides = array<i32>} : memref<64xf32, #tpu.memory_space<vmem>>, vector<16xf32>,
      %swap3A_91 = vector.shape_cast %swap3A_90 : vector<16xf32> to vector<16xf32>
      %swap3A_92 = vector.shape_cast %add3A_88 : vector<16xf32> to vector<16xf32>
      tpu.vector_store %arg5[%swap3A_89], %swap3A_92 {strides = array<i32>} : memref<64xf32, #tpu.memory_space<vmem>>, vector<16xf32>,
      "tpu.region"() ({
        %run_scoped3A = tpu.sem_alloc : memref<!tpu.dma_semaphore, #tpu.memory_space<semaphore_mem>>
        tpu.enqueue_dma source(%arg5 : memref<64xf32, #tpu.memory_space<vmem>>) target(%arg3 : memref<64xf32, #tpu.memory_space<hbm>>) target_semaphore(%run_scoped3A : memref<!tpu.dma_semaphore, #tpu.memory_space<semaphore_mem>>)
        tpu.wait_dma2 semaphore(%run_scoped3A : memref<!tpu.dma_semaphore, #tpu.memory_space<semaphore_mem>>) src(%arg5 : memref<64xf32, #tpu.memory_space<vmem>>) dst(%arg3 : memref<64xf32, #tpu.memory_space<hbm>>)
        tpu.yield
      }) : () -> ()
    } else {
    }
    return
  }
}

module attributes {stable_mosaic.version = 14 : i64} {
  func.func @_body(%arg0: i32, %arg1: memref<1024x2048xf32, #tpu.memory_space<vmem>>, %arg2: memref<1x64xf32, #tpu.memory_space<vmem>>, %arg3: memref<8x128xf32, #tpu.memory_space<vmem>>, %arg4: memref<1x64xf32, #tpu.memory_space<vmem>>, %arg5: memref<1x1xf32, #tpu.memory_space<vmem>>, %arg6: memref<1x2xi32, #tpu.memory_space<vmem>>, %arg7: memref<1x2048xf32, #tpu.memory_space<vmem>>) attributes {dimension_semantics = [#tpu.dimension_semantics<arbitrary>], iteration_bounds = array<i64: 32>, scalar_prefetch = 0 : i64, scratch_operands = 1 : i64, tpu.core_type = #tpu.core_type<tc>, window_params = [{transform_indices = @transform_0, window_bounds = array<i64: 1024, 2048>}, {pipeline_mode = #tpu.pipeline_mode<synchronous>, transform_indices = @transform_1, window_bounds = array<i64: 1, 64>}, {pipeline_mode = #tpu.pipeline_mode<synchronous>, transform_indices = @transform_2, window_bounds = array<i64: 8, 128>}, {pipeline_mode = #tpu.pipeline_mode<synchronous>, transform_indices = @transform_3, window_bounds = array<i64: 1, 64>}, {pipeline_mode = #tpu.pipeline_mode<synchronous>, transform_indices = @transform_4, window_bounds = array<i64: 1, 1>}, {pipeline_mode = #tpu.pipeline_mode<synchronous>, transform_indices = @transform_5, window_bounds = array<i64: 1, 2>}]} {
    %eq3A = arith.constant 0 : i32
    %eq3A_0 = arith.cmpi eq, %arg0, %eq3A : i32
    %convert_element_type3A = arith.extui %eq3A_0 : i1 to i32
    %cond3A = arith.constant 0 : i32
    %cond3A_1 = arith.cmpi ne, %convert_element_type3A, %cond3A : i32
    scf.if %cond3A_1 {
      %broadcast_in_dim3A_15 = arith.constant 0.000000e+00 : f32
      %broadcast_in_dim3A_16 = vector.broadcast %broadcast_in_dim3A_15 : f32 to vector<1x2048xf32>
      %swap3A_17 = arith.constant 0 : index
      %swap3A_18 = arith.constant 0 : index
      %swap3A_19 = vector.load %arg7[%swap3A_17, %swap3A_18] : memref<1x2048xf32, #tpu.memory_space<vmem>>, vector<1x2048xf32>
      tpu.vector_store %arg7[%swap3A_17, %swap3A_18], %broadcast_in_dim3A_16 {strides = array<i32>} : memref<1x2048xf32, #tpu.memory_space<vmem>>, vector<1x2048xf32>,
    } else {
    }
    %get3A = arith.constant 0 : index
    %get3A_2 = arith.constant 0 : index
    %get3A_3 = vector.load %arg7[%get3A, %get3A_2] : memref<1x2048xf32, #tpu.memory_space<vmem>>, vector<1x2048xf32>
    %get3A_4 = arith.constant 0 : index
    %get3A_5 = arith.constant 0 : index
    %get3A_6 = vector.load %arg1[%get3A_4, %get3A_5] : memref<1024x2048xf32, #tpu.memory_space<vmem>>, vector<1024x2048xf32>
    %reduce_sum3A = arith.constant dense<0.000000e+00> : vector<2048xf32>
    %reduce_sum3A_7 = vector.multi_reduction <add>, %get3A_6, %reduce_sum3A [0] : vector<1024x2048xf32> to vector<2048xf32>
    %broadcast_in_dim3A = vector.shape_cast %reduce_sum3A_7 : vector<2048xf32> to vector<1x2048xf32>
    %add3A = arith.addf %get3A_3, %broadcast_in_dim3A : vector<1x2048xf32>
    %swap3A = arith.constant 0 : index
    %swap3A_8 = arith.constant 0 : index
    %swap3A_9 = vector.load %arg7[%swap3A, %swap3A_8] : memref<1x2048xf32, #tpu.memory_space<vmem>>, vector<1x2048xf32>
    tpu.vector_store %arg7[%swap3A, %swap3A_8], %add3A {strides = array<i32>} : memref<1x2048xf32, #tpu.memory_space<vmem>>, vector<1x2048xf32>,
    %eq3A_10 = arith.constant 31 : i32
    %eq3A_11 = arith.cmpi eq, %arg0, %eq3A_10 : i32
    %convert_element_type3A_12 = arith.extui %eq3A_11 : i1 to i32
    %cond3A_13 = arith.constant 0 : i32
    %cond3A_14 = arith.cmpi ne, %convert_element_type3A_12, %cond3A_13 : i32
    scf.if %cond3A_14 {
      %get3A_15 = arith.constant 0 : index
      %get3A_16 = arith.constant 0 : index
      %get3A_17 = vector.load %arg7[%get3A_15, %get3A_16] : memref<1x2048xf32, #tpu.memory_space<vmem>>, vector<1x2048xf32>
      %reduce_sum3A_18 = vector.shape_cast %get3A_17 : vector<1x2048xf32> to vector<1x1x2048xf32>
      %reduce_sum3A_19 = arith.constant dense<0.000000e+00> : vector<1xf32>
      %reduce_sum3A_20 = vector.multi_reduction <add>, %reduce_sum3A_18, %reduce_sum3A_19 [1, 2] : vector<1x1x2048xf32> to vector<1xf32>
      %reduce_sum3A_21 = vector.shape_cast %reduce_sum3A_20 : vector<1xf32> to vector<1x1x1xf32>
      %reduce_sum3A_22 = vector.extract %reduce_sum3A_21[0, 0, 0] : f32 from vector<1x1x1xf32>
      %broadcast_in_dim3A_23 = vector.broadcast %reduce_sum3A_22 : f32 to vector<1x1xf32>
      %div3A = arith.constant 0x4C800000 : f32
      %div3A_24 = vector.broadcast %div3A : f32 to vector<1x1xf32>
      %div3A_25 = arith.divf %broadcast_in_dim3A_23, %div3A_24 : vector<1x1xf32>
      %get3A_26 = arith.constant 0 : index
      %get3A_27 = arith.constant 0 : index
      %get3A_28 = vector.load %arg2[%get3A_26, %get3A_27] : memref<1x64xf32, #tpu.memory_space<vmem>>, vector<1x64xf32>
      %sub3A = vector.broadcast %div3A_25 : vector<1x1xf32> to vector<1x64xf32>
      %sub3A_29 = arith.subf %get3A_28, %sub3A : vector<1x64xf32>
      %integer_pow3A = arith.mulf %sub3A_29, %sub3A_29 : vector<1x64xf32>
      %neg3A = arith.constant 0.000000e+00 : f32
      %neg3A_30 = vector.broadcast %neg3A : f32 to vector<1x64xf32>
      %neg3A_31 = arith.subf %neg3A_30, %integer_pow3A : vector<1x64xf32>
      %reduce_max3A = vector.shape_cast %neg3A_31 : vector<1x64xf32> to vector<1x1x64xf32>
      %reduce_max3A_32 = arith.constant dense<0xFF800000> : vector<1xf32>
      %reduce_max3A_33 = vector.multi_reduction <maximumf>, %reduce_max3A, %reduce_max3A_32 [1, 2] : vector<1x1x64xf32> to vector<1xf32>
      %reduce_max3A_34 = vector.shape_cast %reduce_max3A_33 : vector<1xf32> to vector<1x1x1xf32>
      %reduce_max3A_35 = vector.extract %reduce_max3A_34[0, 0, 0] : f32 from vector<1x1x1xf32>
      %broadcast_in_dim3A_36 = vector.broadcast %reduce_max3A_35 : f32 to vector<1x1xf32>
      %sub3A_37 = vector.broadcast %broadcast_in_dim3A_36 : vector<1x1xf32> to vector<1x64xf32>
      %sub3A_38 = arith.subf %neg3A_31, %sub3A_37 : vector<1x64xf32>
      %exp3A = math.exp %sub3A_38 : vector<1x64xf32>
      %reduce_sum3A_39 = vector.shape_cast %exp3A : vector<1x64xf32> to vector<1x1x64xf32>
      %reduce_sum3A_40 = arith.constant dense<0.000000e+00> : vector<1xf32>
      %reduce_sum3A_41 = vector.multi_reduction <add>, %reduce_sum3A_39, %reduce_sum3A_40 [1, 2] : vector<1x1x64xf32> to vector<1xf32>
      %reduce_sum3A_42 = vector.shape_cast %reduce_sum3A_41 : vector<1xf32> to vector<1x1x1xf32>
      %reduce_sum3A_43 = vector.extract %reduce_sum3A_42[0, 0, 0] : f32 from vector<1x1x1xf32>
      %broadcast_in_dim3A_44 = vector.broadcast %reduce_sum3A_43 : f32 to vector<1x1xf32>
      %div3A_45 = vector.broadcast %broadcast_in_dim3A_44 : vector<1x1xf32> to vector<1x64xf32>
      %div3A_46 = arith.divf %exp3A, %div3A_45 : vector<1x64xf32>
      %iota3A = tpu.iota {dimensions = array<i32: 1>} : vector<1x64xi32>
      %reduce_max3A_47 = vector.shape_cast %div3A_46 : vector<1x64xf32> to vector<1x1x64xf32>
      %reduce_max3A_48 = arith.constant dense<0xFF800000> : vector<1xf32>
      %reduce_max3A_49 = vector.multi_reduction <maximumf>, %reduce_max3A_47, %reduce_max3A_48 [1, 2] : vector<1x1x64xf32> to vector<1xf32>
      %reduce_max3A_50 = vector.shape_cast %reduce_max3A_49 : vector<1xf32> to vector<1x1x1xf32>
      %reduce_max3A_51 = vector.extract %reduce_max3A_50[0, 0, 0] : f32 from vector<1x1x1xf32>
      %broadcast_in_dim3A_52 = vector.broadcast %reduce_max3A_51 : f32 to vector<1x1xf32>
      %eq3A_53 = vector.broadcast %broadcast_in_dim3A_52 : vector<1x1xf32> to vector<1x64xf32>
      %eq3A_54 = arith.cmpf oeq, %div3A_46, %eq3A_53 : vector<1x64xf32>
      %jit3A = arith.constant 64 : i32
      %broadcast_in_dim3A_55 = vector.broadcast %jit3A : i32 to vector<1x64xi32>
      %select_n3A = arith.select %eq3A_54, %iota3A, %broadcast_in_dim3A_55 : vector<1x64xi1>, vector<1x64xi32>
      %reduce_min3A = vector.shape_cast %select_n3A : vector<1x64xi32> to vector<1x1x64xi32>
      %reduce_min3A_56 = arith.constant dense<2147483647> : vector<1xi32>
      %reduce_min3A_57 = vector.multi_reduction <minsi>, %reduce_min3A, %reduce_min3A_56 [1, 2] : vector<1x1x64xi32> to vector<1xi32>
      %reduce_min3A_58 = vector.shape_cast %reduce_min3A_57 : vector<1xi32> to vector<1x1x1xi32>
      %reduce_min3A_59 = vector.extract %reduce_min3A_58[0, 0, 0] : i32 from vector<1x1x1xi32>
      %broadcast_in_dim3A_60 = vector.broadcast %reduce_min3A_59 : i32 to vector<1x1xi32>
      %eq3A_61 = vector.broadcast %broadcast_in_dim3A_60 : vector<1x1xi32> to vector<1x64xi32>
      %eq3A_62 = arith.cmpi eq, %iota3A, %eq3A_61 : vector<1x64xi32>
      %jit3A_63 = arith.constant 0xFF800000 : f32
      %broadcast_in_dim3A_64 = vector.broadcast %jit3A_63 : f32 to vector<1x64xf32>
      %select_n3A_65 = arith.select %eq3A_62, %broadcast_in_dim3A_64, %div3A_46 : vector<1x64xi1>, vector<1x64xf32>
      %reduce_max3A_66 = vector.shape_cast %select_n3A_65 : vector<1x64xf32> to vector<1x1x64xf32>
      %reduce_max3A_67 = arith.constant dense<0xFF800000> : vector<1xf32>
      %reduce_max3A_68 = vector.multi_reduction <maximumf>, %reduce_max3A_66, %reduce_max3A_67 [1, 2] : vector<1x1x64xf32> to vector<1xf32>
      %reduce_max3A_69 = vector.shape_cast %reduce_max3A_68 : vector<1xf32> to vector<1x1x1xf32>
      %reduce_max3A_70 = vector.extract %reduce_max3A_69[0, 0, 0] : f32 from vector<1x1x1xf32>
      %broadcast_in_dim3A_71 = vector.broadcast %reduce_max3A_70 : f32 to vector<1x1xf32>
      %eq3A_72 = vector.broadcast %broadcast_in_dim3A_71 : vector<1x1xf32> to vector<1x64xf32>
      %eq3A_73 = arith.cmpf oeq, %select_n3A_65, %eq3A_72 : vector<1x64xf32>
      %jit3A_74 = arith.constant 64 : i32
      %broadcast_in_dim3A_75 = vector.broadcast %jit3A_74 : i32 to vector<1x64xi32>
      %select_n3A_76 = arith.select %eq3A_73, %iota3A, %broadcast_in_dim3A_75 : vector<1x64xi1>, vector<1x64xi32>
      %reduce_min3A_77 = vector.shape_cast %select_n3A_76 : vector<1x64xi32> to vector<1x1x64xi32>
      %reduce_min3A_78 = arith.constant dense<2147483647> : vector<1xi32>
      %reduce_min3A_79 = vector.multi_reduction <minsi>, %reduce_min3A_77, %reduce_min3A_78 [1, 2] : vector<1x1x64xi32> to vector<1xi32>
      %reduce_min3A_80 = vector.shape_cast %reduce_min3A_79 : vector<1xi32> to vector<1x1x1xi32>
      %reduce_min3A_81 = vector.extract %reduce_min3A_80[0, 0, 0] : i32 from vector<1x1x1xi32>
      %broadcast_in_dim3A_82 = vector.broadcast %reduce_min3A_81 : i32 to vector<1x1xi32>
      %iota3A_83 = tpu.iota {dimensions = array<i32: 0>} : vector<8x128xi32>
      %eq3A_84 = arith.constant 0 : i32
      %eq3A_85 = vector.broadcast %eq3A_84 : i32 to vector<8x128xi32>
      %eq3A_86 = arith.cmpi eq, %iota3A_83, %eq3A_85 : vector<8x128xi32>
      %broadcast_in_dim3A_87 = vector.shape_cast %broadcast_in_dim3A_60 : vector<1x1xi32> to vector<1x1xi32>
      %broadcast_in_dim3A_88 = vector.broadcast %broadcast_in_dim3A_87 : vector<1x1xi32> to vector<8x128xi32>
      %broadcast_in_dim3A_89 = vector.shape_cast %broadcast_in_dim3A_82 : vector<1x1xi32> to vector<1x1xi32>
      %broadcast_in_dim3A_90 = vector.broadcast %broadcast_in_dim3A_89 : vector<1x1xi32> to vector<8x128xi32>
      %select_n3A_91 = arith.select %eq3A_86, %broadcast_in_dim3A_88, %broadcast_in_dim3A_90 : vector<8x128xi1>, vector<8x128xi32>
      %convert_element_type3A_92 = arith.sitofp %select_n3A_91 : vector<8x128xi32> to vector<8x128xf32>
      %swap3A_93 = arith.constant 0 : index
      %swap3A_94 = arith.constant 0 : index
      %swap3A_95 = vector.load %arg3[%swap3A_93, %swap3A_94] : memref<8x128xf32, #tpu.memory_space<vmem>>, vector<8x128xf32>
      tpu.vector_store %arg3[%swap3A_93, %swap3A_94], %convert_element_type3A_92 {strides = array<i32>} : memref<8x128xf32, #tpu.memory_space<vmem>>, vector<8x128xf32>,
      %swap3A_96 = arith.constant 0 : index
      %swap3A_97 = arith.constant 0 : index
      %swap3A_98 = vector.load %arg4[%swap3A_96, %swap3A_97] : memref<1x64xf32, #tpu.memory_space<vmem>>, vector<1x64xf32>
      tpu.vector_store %arg4[%swap3A_96, %swap3A_97], %div3A_46 {strides = array<i32>} : memref<1x64xf32, #tpu.memory_space<vmem>>, vector<1x64xf32>,
      %reduce_sum3A_99 = vector.shape_cast %div3A_46 : vector<1x64xf32> to vector<1x1x64xf32>
      %reduce_sum3A_100 = arith.constant dense<0.000000e+00> : vector<1xf32>
      %reduce_sum3A_101 = vector.multi_reduction <add>, %reduce_sum3A_99, %reduce_sum3A_100 [1, 2] : vector<1x1x64xf32> to vector<1xf32>
      %reduce_sum3A_102 = vector.shape_cast %reduce_sum3A_101 : vector<1xf32> to vector<1x1x1xf32>
      %reduce_sum3A_103 = vector.extract %reduce_sum3A_102[0, 0, 0] : f32 from vector<1x1x1xf32>
      %broadcast_in_dim3A_104 = vector.broadcast %reduce_sum3A_103 : f32 to vector<1x1xf32>
      %div3A_105 = arith.constant 6.400000e+01 : f32
      %div3A_106 = vector.broadcast %div3A_105 : f32 to vector<1x1xf32>
      %div3A_107 = arith.divf %broadcast_in_dim3A_104, %div3A_106 : vector<1x1xf32>
      %sub3A_108 = arith.constant 1.562500e-02 : f32
      %sub3A_109 = vector.broadcast %sub3A_108 : f32 to vector<1x1xf32>
      %sub3A_110 = arith.subf %div3A_107, %sub3A_109 : vector<1x1xf32>
      %integer_pow3A_111 = arith.mulf %sub3A_110, %sub3A_110 : vector<1x1xf32>
      %mul3A = arith.constant 1.000000e-03 : f32
      %mul3A_112 = vector.broadcast %mul3A : f32 to vector<1x1xf32>
      %mul3A_113 = arith.mulf %integer_pow3A_111, %mul3A_112 : vector<1x1xf32>
      %swap3A_114 = arith.constant 0 : index
      %swap3A_115 = arith.constant 0 : index
      %swap3A_116 = vector.load %arg5[%swap3A_114, %swap3A_115] : memref<1x1xf32, #tpu.memory_space<vmem>>, vector<1x1xf32>
      tpu.vector_store %arg5[%swap3A_114, %swap3A_115], %mul3A_113 {strides = array<i32>} : memref<1x1xf32, #tpu.memory_space<vmem>>, vector<1x1xf32>,
      %iota3A_117 = tpu.iota {dimensions = array<i32: 1>} : vector<1x2xi32>
      %eq3A_118 = arith.constant 0 : i32
      %eq3A_119 = vector.broadcast %eq3A_118 : i32 to vector<1x2xi32>
      %eq3A_120 = arith.cmpi eq, %iota3A_117, %eq3A_119 : vector<1x2xi32>
      %broadcast_in_dim3A_121 = vector.shape_cast %broadcast_in_dim3A_60 : vector<1x1xi32> to vector<1x1xi32>
      %broadcast_in_dim3A_122 = vector.broadcast %broadcast_in_dim3A_121 : vector<1x1xi32> to vector<1x2xi32>
      %broadcast_in_dim3A_123 = vector.shape_cast %broadcast_in_dim3A_82 : vector<1x1xi32> to vector<1x1xi32>
      %broadcast_in_dim3A_124 = vector.broadcast %broadcast_in_dim3A_123 : vector<1x1xi32> to vector<1x2xi32>
      %select_n3A_125 = arith.select %eq3A_120, %broadcast_in_dim3A_122, %broadcast_in_dim3A_124 : vector<1x2xi1>, vector<1x2xi32>
      %swap3A_126 = arith.constant 0 : index
      %swap3A_127 = arith.constant 0 : index
      %swap3A_128 = vector.load %arg6[%swap3A_126, %swap3A_127] : memref<1x2xi32, #tpu.memory_space<vmem>>, vector<1x2xi32>
      tpu.vector_store %arg6[%swap3A_126, %swap3A_127], %select_n3A_125 {strides = array<i32>} : memref<1x2xi32, #tpu.memory_space<vmem>>, vector<1x2xi32>,
    } else {
    }
    return
  }
  func.func @transform_0(%arg0: i32) -> (i32, i32) {
    %c0_i32 = arith.constant 0 : i32
    %c0_i32_0 = arith.constant 0 : i32
    return %arg0, %c0_i32 : i32, i32
  }
  func.func @transform_1(%arg0: i32) -> (i32, i32) {
    %c0_i32 = arith.constant 0 : i32
    %c0_i32_0 = arith.constant 0 : i32
    %c0_i32_1 = arith.constant 0 : i32
    return %c0_i32, %c0_i32_0 : i32, i32
  }
  func.func @transform_2(%arg0: i32) -> (i32, i32) {
    %c0_i32 = arith.constant 0 : i32
    %c0_i32_0 = arith.constant 0 : i32
    %c0_i32_1 = arith.constant 0 : i32
    return %c0_i32, %c0_i32_0 : i32, i32
  }
  func.func @transform_3(%arg0: i32) -> (i32, i32) {
    %c0_i32 = arith.constant 0 : i32
    %c0_i32_0 = arith.constant 0 : i32
    %c0_i32_1 = arith.constant 0 : i32
    return %c0_i32, %c0_i32_0 : i32, i32
  }
  func.func @transform_4(%arg0: i32) -> (i32, i32) {
    %c0_i32 = arith.constant 0 : i32
    %c0_i32_0 = arith.constant 0 : i32
    %c0_i32_1 = arith.constant 0 : i32
    return %c0_i32, %c0_i32_0 : i32, i32
  }
  func.func @transform_5(%arg0: i32) -> (i32, i32) {
    %c0_i32 = arith.constant 0 : i32
    %c0_i32_0 = arith.constant 0 : i32
    %c0_i32_1 = arith.constant 0 : i32
    return %c0_i32, %c0_i32_0 : i32, i32
  }
}

</mosaic_0001>

<sc_bundles>
// kernel: kernel.4.cloned.1.call-start
scs
__scs_entry_jumppad:
0x0: {  	(pc) =	sbr.rel $0x88, $3  }
0x1: {  	(tag) =	ssettag $0x0;
	lr =	simm.s32 $0x1  }
0x2: {  	[smem:$0x3F9F] =	sst lr;
	_ =	strace $0xD0000000  }
0x3: {  	_ = 	snop  }
0x4: {  	_ = 	snop  }
0x5: {  	_ = 	snop  }
0x6: {  	_ = 	snop  }
0x7: {  	_ = 	snop  }
__scs_overlays_trampoline_lowered:
0x8: {  	[smem:$0x3FAE] =	sst s0  }
0x9: {  	[smem:$0x3FAF] =	sst s1  }
0xa: {  	[smem:$0x3FB0] =	sst s2  }
0xb: {  	[smem:$0x3FB1] =	sst s3  }
0xc: {  	[smem:$0x3FB2] =	sst s4  }
0xd: {  	[smem:$0x3FB3] =	sst s5  }
0xe: {  	[smem:$0x3FB4] =	sst s6  }
0xf: {  	[smem:$0x3FB5] =	sst s7  }
0x10: {  	[smem:$0x3FB6] =	sst s8  }
0x11: {  	[smem:$0x3FB7] =	sst s9;
	s0 =	simm.s32 @!p0 $0x0  }
0x12: {  	s1 =	sld [smem:$0x3F9D];
	s0 =	simm.s32 @p0 $0x1  }
0x13: {  	[smem:$0x3FB8] =	sst s0;
	s0 =	simm.s32 @!p1 $0x0  }
0x14: {  	s2 =	sld [smem:$0x3F9C];
	s0 =	simm.s32 @p1 $0x1  }
0x15: {  	[smem:$0x3FB9] =	sst s0;
	s0 =	simm.s32 @!p2 $0x0  }
0x16: {  	s3 =	sld [smem:$0x3FDB];
	s0 =	simm.s32 @p2 $0x1  }
0x17: {  	s4 =	simm.s32 $0x1BF5;
	[smem:$0x3FBB] =	sst s0  }
0x18: {  	s0 =	sld [smem:$0x3F9E];
	_ =	swait.ge [sflag:s4], $0x0  }
0x19: {  	s7 =	sld [smem:$0x3F9F]  }
0x1a: {  	s8 =	sadd.s32 $0xFFFFE003, lr  }
0x1b: {  	s9 =	sadd.s32 $0xFFFFFEF7, lr;
	s5 =	simm.s32 $0xFFFFFFFF;
	p2 =	slt.u32 s8, $0xFFFFF086  }
0x1c: {  	p1 =	slt.u32 s9, $0xF7A;
	s5 =	simm.s32 @!p2 $0x0  }
0x1d: {  	s5 =	simm.s32 @p1 $0x1;
	p0 =	seq.s32 s7, s2  }
0x1e: {  	s7 =	smul.u32 @!p0 $0xF7A, s2;
	p2 =	seq.s32 @!p0 s5, $0x0  }
0x1f: {  	s9 =	smul.u32 $0xF7A, s1;
	s8 =	simm.s32 @!p0 $0x1BF5;
	p2 =	por !p2, p0  }
0x20: {  	[sflag:s8] =	ssyncset.s32 @!p0 $0xFFFFF086;
	s6 =	sadd.s32 @!p0 s3, s7;
	s7 =	simm.s32 @!p0 $0x108  }
0x21: {  	s3 =	sadd.s32 s3, s9;
	s6 =	sadd.s32 @!p0 $0x88, s6;
	s7 =	simm.s32 @p2 $0x1082  }
0x22: {  	[simem:s7], [sflag:s8] =	dma.local @!p0 [hbm:s6], $0xF7A  }
0x23: {  	s9 =	sor.u32 $0xD0000000, s2;
	s6 =	simm.s32 $0x108;
	_ =	swait.ge @!p0 [sflag:s8], $0x0  }
0x24: {  	s3 =	sadd.s32 $0x88, s3;
	s6 =	simm.s32 @!p1 $0x1082;
	[sflag:s4] =	ssyncset.s32 $0xFFFFF086  }
0x25: {  	[simem:s6], [sflag:s4] =	dma.local [hbm:s3], $0xF7A  }
0x26: {  	[smem:$0x3F9F] =	sst s1;
	(tag) =	ssettag s2;
	_ =	strace s9  }
0x27: {  	s1 =	sld [smem:$0x3FAF]  }
0x28: {  	s2 =	sld [smem:$0x3FB0]  }
0x29: {  	s4 =	sld [smem:$0x3FB2]  }
0x2a: {  	p0 =	seq.s32 s5, $0x0;
	s5 =	sld [smem:$0x3FB3]  }
0x2b: {  	s6 =	sld [smem:$0x3FB4]  }
0x2c: {  	s7 =	sld [smem:$0x3FB5]  }
0x2d: {  	s3 =	simm.s32 $0x108;
	s8 =	sld [smem:$0x3FB6]  }
0x2e: {  	s3 =	simm.s32 @!p0 $0x1082;
	s9 =	sld [smem:$0x3FB7]  }
0x2f: {  	lr =	sadd.s32 s0, s3;
	s0 =	sld [smem:$0x3FAE]  }
0x30: {  	s3 =	sld [smem:$0x3FB1]  }
0x31: {  	[smem:$0x3FBA] =	sst s10  }
0x32: {  	s10 =	sld [smem:$0x3FB8];
	_ =	sdelay $0x3  }
0x33: {  	p0 =	seq.s32 s10, $0x1;
	s10 =	sld [smem:$0x3FBA];
	_ =	sdelay $0x3  }
0x34: {  	[smem:$0x3FBA] =	sst s10  }
0x35: {  	s10 =	sld [smem:$0x3FB9];
	_ =	sdelay $0x3  }
0x36: {  	p1 =	seq.s32 s10, $0x1;
	s10 =	sld [smem:$0x3FBA];
	_ =	sdelay $0x3  }
0x37: {  	[smem:$0x3FBA] =	sst s10  }
0x38: {  	s10 =	sld [smem:$0x3FBB]  }
0x39: {  	_ = 	snop;
	(pc) =	sbr.ind lr, $3  }
0x3a: {  	_ = 	snop  }
0x3b: {  	_ = 	snop  }
0x3c: {  	p2 =	seq.s32 s10, $0x1;
	s10 =	sld [smem:$0x3FBA]  }
0x3d: {  	_ =	shalt  }
0x3e: {  	_ =	shalt  }
0x3f: {  	_ =	shalt  }
0x40: {  	_ =	shalt  }
0x41: {  	_ =	shalt  }
0x42: {  	_ =	shalt  }
0x43: {  	_ =	shalt  }
0x44: {  	_ =	shalt  }
0x45: {  	_ =	shalt  }
0x46: {  	_ =	shalt  }
0x47: {  	_ =	shalt  }
0x48: {  	_ =	shalt  }
0x49: {  	_ =	shalt  }
0x4a: {  	_ =	shalt  }
0x4b: {  	_ =	shalt  }
0x4c: {  	_ =	shalt  }
0x4d: {  	_ =	shalt  }
0x4e: {  	_ =	shalt  }
0x4f: {  	_ =	shalt  }
0x50: {  	_ =	shalt  }
0x51: {  	_ =	shalt  }
0x52: {  	_ =	shalt  }
0x53: {  	_ =	shalt  }
0x54: {  	_ =	shalt  }
0x55: {  	_ =	shalt  }
0x56: {  	_ =	shalt  }
0x57: {  	_ =	shalt  }
0x58: {  	_ =	shalt  }
0x59: {  	_ =	shalt  }
0x5a: {  	_ =	shalt  }
0x5b: {  	_ =	shalt  }
0x5c: {  	_ =	shalt  }
0x5d: {  	_ =	shalt  }
0x5e: {  	_ =	shalt  }
0x5f: {  	_ =	shalt  }
0x60: {  	_ =	shalt  }
0x61: {  	_ =	shalt  }
0x62: {  	_ =	shalt  }
0x63: {  	_ =	shalt  }
0x64: {  	_ =	shalt  }
0x65: {  	_ =	shalt  }
0x66: {  	_ =	shalt  }
0x67: {  	_ =	shalt  }
0x68: {  	_ =	shalt  }
0x69: {  	_ =	shalt  }
0x6a: {  	_ =	shalt  }
0x6b: {  	_ =	shalt  }
0x6c: {  	_ =	shalt  }
0x6d: {  	_ =	shalt  }
0x6e: {  	_ =	shalt  }
0x6f: {  	_ =	shalt  }
0x70: {  	_ =	shalt  }
0x71: {  	_ =	shalt  }
0x72: {  	_ =	shalt  }
0x73: {  	_ =	shalt  }
0x74: {  	_ =	shalt  }
0x75: {  	_ =	shalt  }
0x76: {  	_ =	shalt  }
0x77: {  	_ =	shalt  }
0x78: {  	_ =	shalt  }
0x79: {  	_ =	shalt  }
0x7a: {  	_ =	shalt  }
0x7b: {  	_ =	shalt  }
0x7c: {  	_ =	shalt  }
0x7d: {  	_ =	shalt  }
0x7e: {  	_ =	shalt  }
0x7f: {  	_ =	shalt  }
0x80: {  	_ =	shalt  }
0x81: {  	_ =	shalt  }
0x82: {  	_ =	shalt  }
0x83: {  	_ =	shalt  }
0x84: {  	_ =	shalt  }
0x85: {  	_ =	shalt  }
0x86: {  	_ =	shalt  }
0x87: {  	_ =	shalt  }
.Lfunc_end0:
.L_simem_size_0:
called_computation_lowered:
.L_overlay_start_0:
0x88: {  	s2 =	sld [smem:$0x3FD9]  }
0x89: {  	s3 =	sld [smem:$0x3FFE];
	_ =	sdelay $0x1  }
0x8a: {  	s1 =	srdreg.scid  }
0x8b: {  	s0 =	sand.u32 $0x1, s1  }
0x8c: {  	s14 =	sshll.u32 s0, $0xA;
	s2 =	sadd.s32 s3, s2  }
0x8d: {  	s2 =	sadd.s32 s2, s14  }
0x8e: {  	[smem:$0x3FC6] =	sst s2  }
0x8f: {  	_ = 	snop  }
0x90: {  	s2 =	sld [smem:$0x3FD0];
	_ =	sdelay $0x2  }
0x91: {  	s15 =	simm.s32 $0xA;
	s4 =	simm.s32 $0x10  }
0x92: {  	[smem:s4], [sflag:s15] =	dma.local [hbm:s2], $0x1  }
0x93: {  	_ =	swait.eq [sflag:s15], $0x1  }
0x94: {  	[sflag:s15] =	ssyncset.done $0x0  }
0x95: {  	[sflag:s15] =	ssyncadd.s32 $0xFFFFFFFF  }
0x96: {  	s16 =	sld [smem:$0x10];
	(tm) =	ssettm $0x1  }
0x97: {  	s17 =	sld [smem:$0x3FFB];
	_ =	sdelay $0x3  }
0x98: {  	_ =	strace s17  }
0x99: {  	s3 =	sld [smem:$0x3FFC];
	_ =	sdelay $0x3  }
0x9a: {  	_ =	strace s3  }
0x9b: {  	s3 =	sld [smem:$0x3FFD];
	_ =	sdelay $0x3  }
0x9c: {  	_ =	strace s3  }
0x9d: {  	_ =	strace $0x8FFFFFFF  }
0x9e: {  	s18 =	sld [smem:$0x3FDB];
	_ =	sdelay $0x1  }
0x9f: {  	s19 =	simm.s32 $_scs_section_size  }
0xa0: {  	s5 =	simm.s32 $_size__tile_overlayer_lowered;
	s6 =	simm.s32 $_tile_overlayer_lowered  }
0xa1: {  	s22 =	simm.s32 $0x1BFF;
	s21 =	sshll.u32 s6, $0x1;
	s3 =	sadd.s32 s19, s18  }
0xa2: {  	s7 =	simm.s32 $0x0;
	s20 =	sshll.u32 s5, $0x1;
	s5 =	sadd.s32 s21, s3  }
0xa3: {  	[timem:s7], [sflag:s22] =	dma.local [hbm:s5], s20  }
0xa4: {  	_ =	swait.ge [sflag:s22], s20  }
0xa5: {  	s4 =	ssub.s32 $0x0, s20;
	[sflag:s22] =	ssyncset.done $0x0  }
0xa6: {  	[sflag:s22] =	ssyncadd.s32 s4;
	_ =	sdelay $0x1  }
0xa7: {  	s23 =	simm.s32 $0x1B8B  }
0xa8: {  	_ =	swait.ge [sflag:s23], $0x1  }
0xa9: {  	[sflag:s23] =	ssyncset.done $0x0  }
0xaa: {  	s25 =	simm.s32 $0x1B8E;
	s24 =	sld [smem:$0x3FFE];
	[sflag:s23] =	ssyncadd.s32 $0xFFFFFFFF  }
0xab: {  	s26 =	simm.s32 $execute0_lowered;
	[smem:$0x3FD2] =	sst s25  }
0xac: {  	s5 =	sshll.u32 s26, $0x1;
	_ =	strace $0x80000046;
	[dreg:$0x1] =	wrdreg $0xFFFFFFFF  }
0xad: {  	s28 =	simm.s32 $_size_execute0_lowered;
	s3 =	sadd.s32 s3, s5;
	[dreg:$0x0] =	wrdreg $0x0  }
0xae: {  	s5 =	sshll.u32 s28, $0x1;
	[dreg:$0x2] =	wrdreg s3  }
0xaf: {  	[dreg:$0x3] =	wrdreg s5  }
0xb0: {  	[dreg:$0x4] =	wrdreg $0xC0  }
0xb1: {  	_ =	task [dreg:s7], $0x5FFFF  }
0xb2: {  	[dreg:$0x1] =	wrdreg $0xFFFFFFFF  }
0xb3: {  	[dreg:$0x0] =	wrdreg $0x60  }
0xb4: {  	[dreg:$0x2] =	wrdreg s24  }
0xb5: {  	[dreg:$0x3] =	wrdreg s16  }
0xb6: {  	[dreg:$0x4] =	wrdreg $0x9  }
0xb7: {  	_ =	task.clear_ibuf [dreg:s7], $0x5FFFF;
	_ =	strace $0x90000046  }
0xb8: {  	s29 =	simm.s32 $0x9;
	_ =	strace $0x80000048  }
0xb9: {  	_ =	swait.ge [sflag:s29], $0x1  }
0xba: {  	[sflag:s29] =	ssyncadd.s32 $0xFFFFFFFF  }
0xbb: {  	_ =	strace $0x90000048  }
0xbc: {  	_ =	sfence  }
0xbd: {  	s30 =	sld [smem:$0x0];
	_ =	sdelay $0x2  }
0xbe: {  	s31 =	sshll.u32 s1, $0xD;
	s1 =	sshrl.u32 s1, $0x2  }
0xbf: {  	s3 =	sand.u32 $0x4000, s31;
	s1 =	sadd.s32 s1, s30  }
0xc0: {  	s0 =	sor.u32 s3, s0;
	s1 =	sshll.u32 s1, $0x11  }
0xc1: {  	s0 =	sor.u32 s1, s0  }
0xc2: {  	s0 =	sadd.s32 $0x8F2B, s0  }
0xc3: {  	[sflag:s0] =	ssyncadd.remote.s32 $0x1  }
0xc4: {  	_ =	sfence.sel $0xFFFF  }
0xc5: {  	[dreg:$0x0] =	wrdreg $0xFFFFFFFF;
	(pc) =	sbr.abs _section_cstart, $3  }
0xc6: {  	[dreg:$0x1] =	wrdreg $0xFFFFFFFF  }
0xc7: {  	_ =	task.clear_ibuf [dreg:s7], $0x2FFFF;
	_ =	strace $0x9FFFFFFF  }
0xc8: {  	(tm) =	ssettm $0x7FFFFFFF  }
0xc9: {  	_ =	shalt  }
tec
execute0_lowered:
.L_overlay_start_1:
0x0: {  	(tag) =	ssettag $0x1  }
0x1: {  	s0 =	srdreg.scid  }
0x2: {  	s6 =	sand.u32 $0x1, s0;
	s0 =	stileid.u32  }
0x3: {  	s4 =	sshll.u32 s0, $0x1;
	s5 =	ssub.s32 $0x0, s6  }
0x4: {  	p0 =	sne.s32 s4, s5  }
.Ltmp0:
0x5: {  	_ = 	snop;
	(pc) =	sbr.rel @p0 .LBB2_4-.Ltmp0, $4  }
0x6: {  	_ = 	snop  }
0x7: {  	s3 =	rddreg [dreg:$0x0]  }
0x8: {  	s2 =	rddreg [dreg:$0x1]  }
0x9: {  	s1 =	rddreg [dreg:$0x2];
	_ =	strace $0x80000047  }
0xa: {  	v0 =	vimm.f32 $1.500000000e+01  }
0xb: {  	vm14 =	vcmask $0x300;
	vm13 =	vcmask $0x704;
	vm12 =	vcmask $0xB08  }
0xc: {  	vm11 =	vcmask $0xF0C;
	vm10 =	vcmask $0x1310;
	vm9 =	vcmask $0x1714  }
0xd: {  	vm8 =	vcmask $0x1B18;
	vm7 =	vcmask $0x1F1C;
	vm6 =	vcmask $0x2320  }
0xe: {  	vm5 =	vcmask $0x2724;
	vm4 =	vcmask $0x2B28;
	vm3 =	vcmask $0x2F2C  }
0xf: {  	vm2 =	vcmask $0x3330;
	vm1 =	vcmask $0x3734;
	vm0 =	vcmask $0x3B38  }
0x10: {  	v1 =	vimm.f32 $3.100000000e+01;
	v2 =	vimm.f32 $4.700000000e+01;
	v3 =	vimm.f32 $6.300000000e+01  }
0x11: {  	v0 =	vsel vm14, $0x0, v0;
	v1 =	vsel vm14, $0x41800000, v1;
	v2 =	vsel vm14, $0x42000000, v2  }
0x12: {  	v3 =	vsel vm14, $0x42400000, v3;
	v0 =	vsel vm13, $0x3F800000, v0;
	v1 =	vsel vm13, $0x41880000, v1  }
0x13: {  	v2 =	vsel vm13, $0x42040000, v2;
	v3 =	vsel vm13, $0x42440000, v3;
	v0 =	vsel vm12, $0x40000000, v0  }
0x14: {  	v1 =	vsel vm12, $0x41900000, v1;
	v2 =	vsel vm12, $0x42080000, v2;
	v3 =	vsel vm12, $0x42480000, v3  }
0x15: {  	v0 =	vsel vm11, $0x40400000, v0;
	v1 =	vsel vm11, $0x41980000, v1;
	v2 =	vsel vm11, $0x420C0000, v2  }
0x16: {  	v3 =	vsel vm11, $0x424C0000, v3;
	v0 =	vsel vm10, $0x40800000, v0;
	v1 =	vsel vm10, $0x41A00000, v1  }
0x17: {  	v2 =	vsel vm10, $0x42100000, v2;
	v3 =	vsel vm10, $0x42500000, v3;
	v0 =	vsel vm9, $0x40A00000, v0  }
0x18: {  	v1 =	vsel vm9, $0x41A80000, v1;
	v2 =	vsel vm9, $0x42140000, v2;
	v3 =	vsel vm9, $0x42540000, v3  }
0x19: {  	v0 =	vsel vm8, $0x40C00000, v0;
	v1 =	vsel vm8, $0x41B00000, v1;
	v2 =	vsel vm8, $0x42180000, v2  }
0x1a: {  	s4 =	sadd.s32 $0xA00, s3;
	s3 =	simm.s32 $0x0;
	s5 =	simm.s32 $0x1;
	v3 =	vsel vm8, $0x42580000, v3;
	v0 =	vsel vm7, $0x40E00000, v0;
	v1 =	vsel vm7, $0x41B80000, v1  }
0x1b: {  	[tilespmem:s3], [sflag:$0x1] =	stream.linear.gather [hbm4b:s4+s3], $0x400, $0x38;
	v2 =	vsel vm7, $0x421C0000, v2;
	v3 =	vsel vm7, $0x425C0000, v3;
	v0 =	vsel vm6, $0x41000000, v0;
	[tilespmem:$0x480] =	vst v63  }
0x1c: {  	_ =	swait.ge [sflag:s5], $0x400;
	v1 =	vsel vm6, $0x41C00000, v1;
	v2 =	vsel vm6, $0x42200000, v2;
	v3 =	vsel vm6, $0x42600000, v3  }
0x1d: {  	[sflag:s5] =	ssyncset.done $0x0;
	v0 =	vsel vm5, $0x41100000, v0;
	v1 =	vsel vm5, $0x41C80000, v1;
	v2 =	vsel vm5, $0x42240000, v2  }
0x1e: {  	[sflag:s5] =	ssyncadd.s32 $0xFFFFFC00;
	v3 =	vsel vm5, $0x42640000, v3;
	v0 =	vsel vm4, $0x41200000, v0;
	v1 =	vsel vm4, $0x41D00000, v1  }
0x1f: {  	v4 =	vld [tilespmem:$0x0];
	v2 =	vsel vm4, $0x42280000, v2;
	v3 =	vsel vm4, $0x42680000, v3;
	v0 =	vsel vm3, $0x41300000, v0  }
0x20: {  	v5 =	vld [tilespmem:$0x80];
	v1 =	vsel vm3, $0x41D80000, v1;
	v2 =	vsel vm3, $0x422C0000, v2;
	v3 =	vsel vm3, $0x426C0000, v3  }
0x21: {  	v0 =	vsel vm2, $0x41400000, v0;
	v1 =	vsel vm2, $0x41E00000, v1;
	v2 =	vsel vm2, $0x42300000, v2  }
0x22: {  	v3 =	vsel vm2, $0x42700000, v3;
	v0 =	vsel vm1, $0x41500000, v0;
	v1 =	vsel vm1, $0x41E80000, v1  }
0x23: {  	v6 =	vsel vm1, $0x42340000, v2;
	v2 =	vsel vm1, $0x42740000, v3;
	v0 =	vsel vm0, $0x41600000, v0  }
0x24: {  	v1 =	vsel vm0, $0x41F00000, v1;
	v2 =	vsel vm0, $0x42780000, v2;
	v7 =	vsub.f32 v0, v4  }
0x25: {  	v3 =	vsel vm0, $0x42380000, v6;
	v8 =	vsub.f32 v1, v4;
	v6 =	vsub.f32 v0, v5  }
0x26: {  	v9 =	vsub.f32 v2, v4;
	v10 =	vsub.f32 v3, v5  }
0x27: {  	v11 =	vsub.f32 v1, v5;
	v7 =	vmul.f32 v7, v7;
	v6 =	vmul.f32 v6, v6  }
0x28: {  	s6 =	ssub.s32 $0x2, s6;
	v4 =	vsub.f32 v3, v4;
	v8 =	vmul.f32 v8, v8;
	v10 =	vmul.f32 v10, v10  }
0x29: {  	s7 =	sshrl.u32 s6, $0x1;
	v5 =	vsub.f32 v2, v5;
	v9 =	vmul.f32 v9, v9;
	v11 =	vmul.f32 v11, v11  }
0x2a: {  	s6 =	ssub.s32 s6, s7;
	v4 =	vmul.f32 v4, v4;
	v7 =	vsub.f32 $1.000000000e+00, v7;
	v6 =	vsub.f32 $1.000000000e+00, v6  }
0x2b: {  	s8 =	smax.u32 s6, $0x1;
	v5 =	vmul.f32 v5, v5;
	v8 =	vsub.f32 $1.000000000e+00, v8;
	v10 =	vsub.f32 $1.000000000e+00, v10  }
0x2c: {  	p0 =	sne.s32 s8, $0x1;
	v11 =	vsub.f32 $1.000000000e+00, v11;
	v4 =	vsub.f32 $1.000000000e+00, v4  }
.Ltmp1:
0x2d: {  	v9 =	vsub.f32 $1.000000000e+00, v9;
	v5 =	vsub.f32 $1.000000000e+00, v5;
	v6 =	vmax.f32 v6, $0.0e+00;
	(pc) =	sbr.rel @!p0 .LBB2_3-.Ltmp1, $4  }
0x2e: {  	v7 =	vmax.f32 v7, $0.0e+00;
	v8 =	vmax.f32 v8, $0.0e+00;
	v11 =	vmax.f32 v11, $0.0e+00  }
0x2f: {  	v4 =	vmax.f32 v4, $0.0e+00;
	v10 =	vmax.f32 v10, $0.0e+00;
	v8 =	vadd.f32 v11, v8  }
0x30: {  	v9 =	vmax.f32 v9, $0.0e+00;
	v63 =	vmax.f32 v5, $0.0e+00;
	v4 =	vadd.f32 v10, v4  }
0x31: {  	s7 =	simm.s32 $0x400;
	s6 =	simm.s32 $0x2;
	s8 =	sadd.s32 $0xFFFFFFFF, s8;
	v5 =	vadd.f32 v6, v7;
	v6 =	vadd.f32 v63, v9;
	[tilespmem:$0x410] =	vst v8  }
.LBB2_2:
0x32: {  	p0 =	sne.s32 s8, $0x1;
	s8 =	sadd.s32 $0xFFFFFFFF, s8;
	[tilespmem:$0x420] =	vst v4  }
0x33: {  	[tilespmem:$0x400] =	vst v5  }
0x34: {  	[tilespmem:$0x430] =	vst v6  }
0x35: {  	[hbm4b:s2+s3] =	stream.linear.scatter [tilespmem:s7], [sflag:$0x2], $0x80, $0x38;
	[tilespmem:$0x480] =	vst v63  }
0x36: {  	_ =	swait.ge [sflag:s6], $0x80  }
0x37: {  	[sflag:s6] =	ssyncset.done $0x0  }
0x38: {  	[sflag:s6] =	ssyncadd.s32 $0xFFFFFF80  }
0x39: {  	[tilespmem:s3], [sflag:$0x1] =	stream.linear.gather [hbm4b:s4+s3], $0x400, $0x38;
	[tilespmem:$0x480] =	vst v63  }
0x3a: {  	_ =	swait.ge [sflag:s5], $0x400  }
0x3b: {  	[sflag:s5] =	ssyncset.done $0x0  }
0x3c: {  	[sflag:s5] =	ssyncadd.s32 $0xFFFFFC00  }
0x3d: {  	v4 =	vld [tilespmem:$0x0]  }
0x3e: {  	v5 =	vld [tilespmem:$0x80];
	_ =	sdelay $0x3  }
0x3f: {  	v6 =	vsub.f32 v0, v4;
	v7 =	vsub.f32 v1, v4  }
0x40: {  	v9 =	vsub.f32 v2, v4;
	v8 =	vsub.f32 v0, v5  }
0x41: {  	v4 =	vsub.f32 v3, v4;
	v10 =	vsub.f32 v3, v5;
	v6 =	vmul.f32 v6, v6  }
0x42: {  	v11 =	vsub.f32 v1, v5;
	v7 =	vmul.f32 v7, v7;
	v8 =	vmul.f32 v8, v8  }
0x43: {  	v9 =	vmul.f32 v9, v9;
	v10 =	vmul.f32 v10, v10;
	v6 =	vsub.f32 $1.000000000e+00, v6  }
0x44: {  	v5 =	vsub.f32 v2, v5;
	v11 =	vmul.f32 v11, v11;
	v8 =	vsub.f32 $1.000000000e+00, v8  }
0x45: {  	v4 =	vmul.f32 v4, v4;
	v7 =	vsub.f32 $1.000000000e+00, v7;
	v10 =	vsub.f32 $1.000000000e+00, v10  }
0x46: {  	v5 =	vmul.f32 v5, v5;
	v11 =	vsub.f32 $1.000000000e+00, v11;
	v8 =	vmax.f32 v8, $0.0e+00  }
.Ltmp2:
0x47: {  	v4 =	vsub.f32 $1.000000000e+00, v4;
	v9 =	vsub.f32 $1.000000000e+00, v9;
	v6 =	vmax.f32 v6, $0.0e+00;
	(pc) =	sbr.rel @p0 .LBB2_2-.Ltmp2, $4  }
0x48: {  	v5 =	vsub.f32 $1.000000000e+00, v5;
	v7 =	vmax.f32 v7, $0.0e+00;
	v11 =	vmax.f32 v11, $0.0e+00  }
0x49: {  	v4 =	vmax.f32 v4, $0.0e+00;
	v10 =	vmax.f32 v10, $0.0e+00;
	v7 =	vadd.f32 v11, v7  }
0x4a: {  	v9 =	vmax.f32 v9, $0.0e+00;
	v4 =	vadd.f32 v10, v4;
	v10 =	vmax.f32 v5, $0.0e+00  }
0x4b: {  	v5 =	vadd.f32 v8, v6;
	v6 =	vadd.f32 v10, v9;
	[tilespmem:$0x410] =	vst v7  }
.LBB2_3:
0x4c: {  	[tilespmem:$0x420] =	vst v4  }
0x4d: {  	[tilespmem:$0x400] =	vst v5  }
0x4e: {  	[tilespmem:$0x430] =	vst v6  }
0x4f: {  	[hbm4b:s2+s3] =	stream.linear.scatter [tilespmem:s7], [sflag:$0x2], $0x80, $0x38;
	[tilespmem:$0x480] =	vst v63  }
0x50: {  	_ =	swait.ge [sflag:s6], $0x80  }
0x51: {  	[sflag:s6] =	ssyncset.done $0x0  }
0x52: {  	[sflag:s6] =	ssyncadd.s32 $0xFFFFFF80  }
.LBB2_4:
0x53: {  	_ =	sfence.sel $0x180000  }
0x54: {  	[bflag:$0x0] =	sbarrier.arrive $0xFFFF  }
0x55: {  	p0 =	sne.s32 s0, $0x0;
	_ =	strace $0x90000047  }
0x56: {  	s0 =	sadd.s32 @!p0 $0x100000, s1;
	[bflag:$0x2] =	sbarrier.arrive $0xFFFF  }
0x57: {  	[sflag:s0] =	ssyncadd.tile.s32 @!p0 $0x1;
	_ =	shalt  }
.Lfunc_end2:
_tile_overlayer_lowered:
.L_overlay_start_2:
0x58: {  	(tag) =	ssettag $0x2  }
0x59: {  	s0 =	rddreg [dreg:$0x0];
	s2 =	stileid.u32  }
0x5a: {  	s1 =	rddreg [dreg:$0x1];
	p0 =	sne.s32 s2, $0x0  }
0x5b: {  	s3 =	rddreg [dreg:$0x2];
	[bflag:$0x3] =	sbarrier.arrive $0xFFFF;
	s2 =	simm.s32 @!p0 $0x1C02  }
0x5c: {  	[timem:s3], [sflag:s2] =	dma.local @!p0 [hbm:s0], s1  }
0x5d: {  	s0 =	simm.s32 @!p0 $0x2  }
0x5e: {  	_ =	swait.ge @!p0 [sflag:s0], s1  }
0x5f: {  	s1 =	ssub.s32 @!p0 $0x0, s1;
	[sflag:s0] =	ssyncset.done @!p0 $0x0  }
0x60: {  	[sflag:s0] =	ssyncadd.s32 @!p0 s1  }
0x61: {  	[bflag:$0x3] =	sbarrier.arrive $0xFFFF  }
0x62: {  	_ =	shalt  }

</sc_bundles>
